<compile_context>
chip_gen: v7x
topology: tpu7x:2x2x1
jax: 0.10.2.dev20260603
libtpu: 0.0.44.dev20260713+nightly
codegen_flags: <defaults>
</compile_context>

<pallas_src>
import jax
import jax.numpy as jnp
from jax import lax
from jax.experimental import pallas as pl
from jax.experimental.pallas import tpu as pltpu
from jax.experimental.pallas import tpu_sc as plsc

B = 1024
D = 64
LENS = (20, 50, 100, 200)
NC, NS = 2, 16
LC = 16
NBUF = 2

SC_INPUTS = (0,)
TC_INPUTS = (1, 2, 3)
TC_GRID = 10
TC_LCS = tuple(LENS[i] // TC_GRID for i in TC_INPUTS)

CHUNKS = []
for _slot, _i in enumerate(SC_INPUTS):
    _L = LENS[_i]
    _l0 = 0
    while _l0 < _L:
        _lc = min(LC, _L - _l0)
        CHUNKS.append((_slot, _l0, _lc, _l0 == 0, _l0 + _lc == _L))
        _l0 += _lc


def _unroll_for(lc):
    for u in (4, 2):
        if lc % u == 0:
            return u
    return 1


def _sc_body(*refs):
    n_in = len(SC_INPUTS)
    ins = refs[:n_in]
    out = refs[n_in]
    scratch = refs[n_in + 1:]
    bufs = scratch[:NBUF]
    acc = scratch[NBUF]
    sems = scratch[NBUF + 1:]
    w = lax.axis_index("s") * NC + lax.axis_index("c")
    dg = w // 4
    bp = w % 4
    d0 = dg * 8
    b0 = bp * 256

    def issue(j):
        slot, l0, lc, _, _ = CHUNKS[j]
        return pltpu.async_copy(
            ins[slot].at[pl.ds(l0, lc), pl.ds(d0, 8), pl.ds(b0, 256)],
            bufs[j % NBUF].at[pl.ds(0, lc)],
            sems[j % NBUF],
        )

    n = len(CHUNKS)
    descs = [None] * n
    for j in range(min(NBUF, n)):
        descs[j] = issue(j)
    for j, (slot, l0, lc, first, last) in enumerate(CHUNKS):
        descs[j].wait()
        buf = bufs[j % NBUF]
        unroll = _unroll_for(lc)

        def col_body(c, carry):
            s = c // 16
            koff = (c % 16) * 16
            zero = jnp.zeros((16,), jnp.float32)

            @plsc.parallel_loop(0, lc, step=1, unroll=unroll, carry=zero)
            def colsum(l, a):
                return a + buf[l, s, pl.ds(koff, 16)]

            if first:
                acc[s, pl.ds(koff, 16)] = colsum
            else:
                acc[s, pl.ds(koff, 16)] = acc[s, pl.ds(koff, 16)] + colsum
            return carry

        lax.fori_loop(0, 128, col_body, jnp.int32(0))
        if last:
            pltpu.sync_copy(acc, out.at[slot, dg, bp])
        if j + NBUF < n:
            descs[j + NBUF] = issue(j + NBUF)


def _build_sc_call():
    mesh = plsc.VectorSubcoreMesh(
        core_axis_name="c", subcore_axis_name="s", num_cores=NC, num_subcores=NS
    )
    scratch = [pltpu.VMEM((LC, 8, 256), jnp.float32) for _ in range(NBUF)]
    scratch += [pltpu.VMEM((8, 256), jnp.float32)]
    scratch += [pltpu.SemaphoreType.DMA for _ in range(NBUF)]
    return pl.kernel(
        _sc_body,
        out_type=jax.ShapeDtypeStruct((len(SC_INPUTS), 8, 4, 8, 256), jnp.float32),
        mesh=mesh,
        scratch_types=scratch,
        compiler_params=pltpu.CompilerParams(use_tc_tiling_on_sc=True),
    )


def _tc_body(x1, x2, x3, o_ref):
    g = pl.program_id(0)

    @pl.when(g == 0)
    def _():
        o_ref[...] = jnp.zeros_like(o_ref)

    for i, x in enumerate((x1, x2, x3)):
        o_ref[i, :, :] += jnp.sum(x[...], axis=0)


def kernel(inputs_0, inputs_1, inputs_2, inputs_3, sum_dim, concat_mode,
           keep_dims, cat_axis, is_cat):
    xs = (inputs_0, inputs_1, inputs_2, inputs_3)
    xt = [jnp.transpose(t, (1, 2, 0)) for t in xs]

    sc_out = _build_sc_call()(*[xt[i] for i in SC_INPUTS])
    sc_part = sc_out.transpose(2, 4, 0, 1, 3).reshape(B, len(SC_INPUTS), D)

    tc_out = pl.pallas_call(
        _tc_body,
        grid=(TC_GRID,),
        in_specs=[
            pl.BlockSpec((lc, D, B), lambda g, _lc=lc: (g, 0, 0))
            for lc in TC_LCS
        ],
        out_specs=pl.BlockSpec((3, D, B), lambda g: (0, 0, 0)),
        out_shape=jax.ShapeDtypeStruct((3, D, B), jnp.float32),
        compiler_params=pltpu.CompilerParams(
            dimension_semantics=("arbitrary",),
        ),
    )(*[xt[i] for i in TC_INPUTS])
    tc_part = tc_out.transpose(2, 0, 1)

    return jnp.concatenate([sc_part, tc_part], axis=1)

# --- scband reference (transcript-rebuilt; emitter-appended) ---
"""Pipeline reference for scband-concatenate-sum-operation1-48773648613703 (READ-ONLY COPY).

The authoritative reference and input builder live on the scoring server;
editing this copy changes nothing except your own understanding.
"""

import jax, jax.numpy as jnp
import numpy as np


def setup_inputs(seed: int = 0) -> dict:
    key = jax.random.key(seed)
    k0, k1, k2, k3 = jax.random.split(key, 4)
    inputs_0 = jax.random.normal(k0, (1024, 20, 64), dtype=jnp.float32)
    inputs_1 = jax.random.normal(k1, (1024, 50, 64), dtype=jnp.float32)
    inputs_2 = jax.random.normal(k2, (1024, 100, 64), dtype=jnp.float32)
    inputs_3 = jax.random.normal(k3, (1024, 200, 64), dtype=jnp.float32)
    return {
        "inputs_0": inputs_0,
        "inputs_1": inputs_1,
        "inputs_2": inputs_2,
        "inputs_3": inputs_3,
        "sum_dim": 1,
        "concat_mode": 0,
        "keep_dims": True,
        "cat_axis": 1,
        "is_cat": True,
    }


def _fuse_sum_cat_3d(inputs):
    # sum each [B, L_i, D] over the sequence dim with keepdims, then concat along axis 1
    # -> [B, n_inputs, D]
    return jnp.concatenate([jnp.sum(t, axis=1, keepdims=True) for t in inputs], axis=1)


def _fuse_sum_cat_2d(inputs):
    # sum each input over dim 1 (no keepdims semantics beyond stacking), concat along axis 1
    return jnp.concatenate([jnp.sum(t, axis=1, keepdims=True) for t in inputs], axis=1)


def reference(inputs_0, inputs_1, inputs_2, inputs_3, sum_dim, concat_mode, keep_dims, cat_axis, is_cat=True):
    inputs = [inputs_0, inputs_1, inputs_2, inputs_3]
    batch_size = inputs[0].shape[0]
    sequence_lengths = [t.shape[1] for t in inputs]
    max_sequence_length = max(sequence_lengths)
    length_tensor = jnp.asarray(sequence_lengths, dtype=jnp.int32)
    take_3d = jnp.logical_and(
        jnp.asarray(keep_dims, dtype=jnp.bool_),
        jnp.asarray(cat_axis) != 0,
    )
    output_3d = _fuse_sum_cat_3d(inputs)
    output_2d = _fuse_sum_cat_2d(inputs)
    output = jnp.where(take_3d, output_3d, output_2d)
    output = output + jnp.asarray(is_cat, dtype=output.dtype) * jnp.zeros((), dtype=output.dtype)
    return output

if __name__ == "__main__":
    import jax
    _d = setup_inputs()
    print(jax.jit(kernel)(*tuple(_d.values())))

</pallas_src>

<mosaic_0001>
#map = affine_map<(d0, d1) -> (0, 0, 0)>
#map1 = affine_map<(d0, d1) -> (0, 0, 0, 0, 0)>
module attributes {stable_mosaic.version = 14 : i64} {
  func.func @_sc_body(%arg0: i32, %arg1: i32, %arg2: memref<20x64x1024xf32, #tpu.memory_space<hbm>>, %arg3: memref<1x8x4x8x256xf32, #tpu.memory_space<hbm>>, %arg4: memref<16x8x256xf32, #tpu.memory_space<vmem>>, %arg5: memref<16x8x256xf32, #tpu.memory_space<vmem>>, %arg6: memref<8x256xf32, #tpu.memory_space<vmem>>, %arg7: memref<!tpu.dma_semaphore, #tpu.memory_space<semaphore_mem>>, %arg8: memref<!tpu.dma_semaphore, #tpu.memory_space<semaphore_mem>>) attributes {dimension_semantics = [#tpu.dimension_semantics<core_parallel>, #tpu.dimension_semantics<subcore_parallel>], iteration_bounds = array<i64: 2, 16>, scalar_prefetch = 0 : i64, scratch_operands = 5 : i64, tpu.core_type = #tpu.core_type<sc_vector_subcore>, window_params = [{transform_indices = #map}, {transform_indices = #map1}]} {
    %mul3A = arith.constant 2 : i32
    %mul3A_0 = arith.muli %arg1, %mul3A : i32
    %add3A = arith.addi %mul3A_0, %arg0 : i32
    %jit3A = arith.constant 4 : i32
    %div3A = arith.divsi %add3A, %jit3A : i32
    %sign3A = arith.constant 0 : i32
    %sign3A_1 = arith.cmpi sgt, %add3A, %sign3A : i32
    %sign3A_2 = arith.extui %sign3A_1 : i1 to i32
    %sign3A_3 = arith.constant 0 : i32
    %sign3A_4 = arith.cmpi slt, %add3A, %sign3A_3 : i32
    %sign3A_5 = arith.extui %sign3A_4 : i1 to i32
    %sign3A_6 = arith.subi %sign3A_2, %sign3A_5 : i32
    %sign3A_7 = arith.constant 0 : i32
    %sign3A_8 = arith.cmpi sgt, %jit3A, %sign3A_7 : i32
    %sign3A_9 = arith.extui %sign3A_8 : i1 to i32
    %sign3A_10 = arith.constant 0 : i32
    %sign3A_11 = arith.cmpi slt, %jit3A, %sign3A_10 : i32
    %sign3A_12 = arith.extui %sign3A_11 : i1 to i32
    %sign3A_13 = arith.subi %sign3A_9, %sign3A_12 : i32
    %ne3A = arith.cmpi ne, %sign3A_6, %sign3A_13 : i32
    %rem3A = arith.remsi %add3A, %jit3A : i32
    %ne3A_14 = arith.constant 0 : i32
    %ne3A_15 = arith.cmpi ne, %rem3A, %ne3A_14 : i32
    %and3A = arith.andi %ne3A, %ne3A_15 : i1
    %sub3A = arith.constant 1 : i32
    %sub3A_16 = arith.subi %div3A, %sub3A : i32
    %select_n3A = arith.select %and3A, %sub3A_16, %div3A : i32
    %jit3A_17 = arith.constant 4 : i32
    %eq3A = arith.constant 0 : i32
    %eq3A_18 = arith.cmpi eq, %jit3A_17, %eq3A : i32
    %jit3A_19 = arith.constant 1 : i32
    %select_n3A_20 = arith.select %eq3A_18, %jit3A_19, %jit3A_17 : i32
    %rem3A_21 = arith.remsi %add3A, %select_n3A_20 : i32
    %ne3A_22 = arith.constant 0 : i32
    %ne3A_23 = arith.cmpi ne, %rem3A_21, %ne3A_22 : i32
    %lt3A = arith.constant 0 : i32
    %lt3A_24 = arith.cmpi slt, %rem3A_21, %lt3A : i32
    %lt3A_25 = arith.constant 0 : i32
    %lt3A_26 = arith.cmpi slt, %select_n3A_20, %lt3A_25 : i32
    %ne3A_27 = arith.xori %lt3A_24, %lt3A_26 : i1
    %and3A_28 = arith.andi %ne3A_27, %ne3A_23 : i1
    %add3A_29 = arith.addi %rem3A_21, %select_n3A_20 : i32
    %select_n3A_30 = arith.select %and3A_28, %add3A_29, %rem3A_21 : i32
    %mul3A_31 = arith.constant 8 : i32
    %mul3A_32 = arith.muli %select_n3A, %mul3A_31 : i32
    %mul3A_33 = arith.constant 256 : i32
    %mul3A_34 = arith.muli %select_n3A_30, %mul3A_33 : i32
    %dma_start3A = arith.constant 0 : i32
    %dma_start3A_35 = arith.constant 0 : i32
    %dma_start3A_36 = arith.constant 0 : i32
    %dma_start3A_37 = tpu.memref_slice %arg4[%dma_start3A, %dma_start3A_35, %dma_start3A_36] : memref<16x8x256xf32, #tpu.memory_space<vmem>> -> memref<16x8x256xf32, #tpu.memory_space<vmem>>
    %dma_start3A_38 = arith.constant 0 : i32
    %dma_start3A_39 = tpu.memref_slice %arg2[%dma_start3A_38, %mul3A_32, %mul3A_34] : memref<20x64x1024xf32, #tpu.memory_space<hbm>> -> memref<16x8x256xf32, #tpu.memory_space<hbm>>
    %dma_start3A_40 = arith.constant 0 : i32
    %dma_start3A_41 = arith.constant 0 : i32
    %dma_start3A_42 = arith.constant 0 : i32
    %dma_start3A_43 = tpu.memref_slice %arg4[%dma_start3A_40, %dma_start3A_41, %dma_start3A_42] : memref<16x8x256xf32, #tpu.memory_space<vmem>> -> memref<16x8x256xf32, #tpu.memory_space<vmem>>
    %dma_start3A_44 = arith.constant 0 : i32
    %dma_start3A_45 = tpu.memref_slice %arg2[%dma_start3A_44, %mul3A_32, %mul3A_34] : memref<20x64x1024xf32, #tpu.memory_space<hbm>> -> memref<16x8x256xf32, #tpu.memory_space<hbm>>
    tpu.enqueue_dma source(%dma_start3A_45 : memref<16x8x256xf32, #tpu.memory_space<hbm>>) target(%dma_start3A_43 : memref<16x8x256xf32, #tpu.memory_space<vmem>>) target_semaphore(%arg7 : memref<!tpu.dma_semaphore, #tpu.memory_space<semaphore_mem>>)
    %dma_start3A_46 = arith.constant 0 : i32
    %dma_start3A_47 = arith.constant 0 : i32
    %dma_start3A_48 = arith.constant 0 : i32
    %dma_start3A_49 = tpu.memref_slice %arg5[%dma_start3A_46, %dma_start3A_47, %dma_start3A_48] : memref<16x8x256xf32, #tpu.memory_space<vmem>> -> memref<4x8x256xf32, #tpu.memory_space<vmem>>
    %dma_start3A_50 = arith.constant 16 : i32
    %dma_start3A_51 = tpu.memref_slice %arg2[%dma_start3A_50, %mul3A_32, %mul3A_34] : memref<20x64x1024xf32, #tpu.memory_space<hbm>> -> memref<4x8x256xf32, #tpu.memory_space<hbm>>
    %dma_start3A_52 = arith.constant 0 : i32
    %dma_start3A_53 = arith.constant 0 : i32
    %dma_start3A_54 = arith.constant 0 : i32
    %dma_start3A_55 = tpu.memref_slice %arg5[%dma_start3A_52, %dma_start3A_53, %dma_start3A_54] : memref<16x8x256xf32, #tpu.memory_space<vmem>> -> memref<4x8x256xf32, #tpu.memory_space<vmem>>
    %dma_start3A_56 = arith.constant 16 : i32
    %dma_start3A_57 = tpu.memref_slice %arg2[%dma_start3A_56, %mul3A_32, %mul3A_34] : memref<20x64x1024xf32, #tpu.memory_space<hbm>> -> memref<4x8x256xf32, #tpu.memory_space<hbm>>
    tpu.enqueue_dma source(%dma_start3A_57 : memref<4x8x256xf32, #tpu.memory_space<hbm>>) target(%dma_start3A_55 : memref<4x8x256xf32, #tpu.memory_space<vmem>>) target_semaphore(%arg8 : memref<!tpu.dma_semaphore, #tpu.memory_space<semaphore_mem>>)
    %dma_wait3A = arith.constant 0 : i32
    %dma_wait3A_58 = arith.constant 0 : i32
    %dma_wait3A_59 = arith.constant 0 : i32
    %dma_wait3A_60 = tpu.memref_slice %arg4[%dma_wait3A, %dma_wait3A_58, %dma_wait3A_59] : memref<16x8x256xf32, #tpu.memory_space<vmem>> -> memref<16x8x256xf32, #tpu.memory_space<vmem>>
    %dma_wait3A_61 = arith.constant 0 : i32
    %dma_wait3A_62 = tpu.memref_slice %arg2[%dma_wait3A_61, %mul3A_32, %mul3A_34] : memref<20x64x1024xf32, #tpu.memory_space<hbm>> -> memref<16x8x256xf32, #tpu.memory_space<hbm>>
    %dma_wait3A_63 = arith.constant 0 : i32
    %dma_wait3A_64 = arith.constant 0 : i32
    %dma_wait3A_65 = arith.constant 0 : i32
    %dma_wait3A_66 = tpu.memref_slice %arg4[%dma_wait3A_63, %dma_wait3A_64, %dma_wait3A_65] : memref<16x8x256xf32, #tpu.memory_space<vmem>> -> memref<16x8x256xf32, #tpu.memory_space<vmem>>
    %dma_wait3A_67 = arith.constant 0 : i32
    %dma_wait3A_68 = tpu.memref_slice %arg2[%dma_wait3A_67, %mul3A_32, %mul3A_34] : memref<20x64x1024xf32, #tpu.memory_space<hbm>> -> memref<16x8x256xf32, #tpu.memory_space<hbm>>
    tpu.wait_dma2 semaphore(%arg7 : memref<!tpu.dma_semaphore, #tpu.memory_space<semaphore_mem>>) src(%dma_wait3A_68 : memref<16x8x256xf32, #tpu.memory_space<hbm>>) dst(%dma_wait3A_66 : memref<16x8x256xf32, #tpu.memory_space<vmem>>)
    %scan3A = arith.constant 0 : i32
    %scan3A_69 = arith.constant 0 : i32
    %scan3A_70 = arith.constant 128 : i32
    %scan3A_71 = arith.addi %scan3A_69, %scan3A_70 : i32
    %scan3A_72 = arith.constant 1 : i32
    scf.for %scan3A_92 = %scan3A_69 to %scan3A_71 step %scan3A_72  : i32 {
      %jit3A_93 = arith.constant 16 : i32
      %div3A_94 = arith.divsi %scan3A_92, %jit3A_93 : i32
      %sign3A_95 = arith.constant 0 : i32
      %sign3A_96 = arith.cmpi sgt, %scan3A_92, %sign3A_95 : i32
      %sign3A_97 = arith.extui %sign3A_96 : i1 to i32
      %sign3A_98 = arith.constant 0 : i32
      %sign3A_99 = arith.cmpi slt, %scan3A_92, %sign3A_98 : i32
      %sign3A_100 = arith.extui %sign3A_99 : i1 to i32
      %sign3A_101 = arith.subi %sign3A_97, %sign3A_100 : i32
      %sign3A_102 = arith.constant 0 : i32
      %sign3A_103 = arith.cmpi sgt, %jit3A_93, %sign3A_102 : i32
      %sign3A_104 = arith.extui %sign3A_103 : i1 to i32
      %sign3A_105 = arith.constant 0 : i32
      %sign3A_106 = arith.cmpi slt, %jit3A_93, %sign3A_105 : i32
      %sign3A_107 = arith.extui %sign3A_106 : i1 to i32
      %sign3A_108 = arith.subi %sign3A_104, %sign3A_107 : i32
      %ne3A_109 = arith.cmpi ne, %sign3A_101, %sign3A_108 : i32
      %rem3A_110 = arith.remsi %scan3A_92, %jit3A_93 : i32
      %ne3A_111 = arith.constant 0 : i32
      %ne3A_112 = arith.cmpi ne, %rem3A_110, %ne3A_111 : i32
      %and3A_113 = arith.andi %ne3A_109, %ne3A_112 : i1
      %sub3A_114 = arith.constant 1 : i32
      %sub3A_115 = arith.subi %div3A_94, %sub3A_114 : i32
      %select_n3A_116 = arith.select %and3A_113, %sub3A_115, %div3A_94 : i32
      %jit3A_117 = arith.constant 16 : i32
      %eq3A_118 = arith.constant 0 : i32
      %eq3A_119 = arith.cmpi eq, %jit3A_117, %eq3A_118 : i32
      %jit3A_120 = arith.constant 1 : i32
      %select_n3A_121 = arith.select %eq3A_119, %jit3A_120, %jit3A_117 : i32
      %rem3A_122 = arith.remsi %scan3A_92, %select_n3A_121 : i32
      %ne3A_123 = arith.constant 0 : i32
      %ne3A_124 = arith.cmpi ne, %rem3A_122, %ne3A_123 : i32
      %lt3A_125 = arith.constant 0 : i32
      %lt3A_126 = arith.cmpi slt, %rem3A_122, %lt3A_125 : i32
      %lt3A_127 = arith.constant 0 : i32
      %lt3A_128 = arith.cmpi slt, %select_n3A_121, %lt3A_127 : i32
      %ne3A_129 = arith.xori %lt3A_126, %lt3A_128 : i1
      %and3A_130 = arith.andi %ne3A_129, %ne3A_124 : i1
      %add3A_131 = arith.addi %rem3A_122, %select_n3A_121 : i32
      %select_n3A_132 = arith.select %and3A_130, %add3A_131, %rem3A_122 : i32
      %mul3A_133 = arith.constant 16 : i32
      %mul3A_134 = arith.muli %select_n3A_132, %mul3A_133 : i32
      %broadcast_in_dim3A = arith.constant 0.000000e+00 : f32
      %broadcast_in_dim3A_135 = vector.broadcast %broadcast_in_dim3A : f32 to vector<16xf32>
      %parallel_loop3A = arith.constant 0 : i32
      %parallel_loop3A_136 = arith.constant 16 : i32
      %parallel_loop3A_137 = arith.constant 1 : i32
      %parallel_loop3A_138 = scf.for %parallel_loop3A_143 = %parallel_loop3A to %parallel_loop3A_136 step %parallel_loop3A_137 iter_args(%parallel_loop3A_144 = %broadcast_in_dim3A_135) -> (vector<16xf32>)  : i32 {
        %parallel_loop3A_145 = arith.index_cast %parallel_loop3A_143 : i32 to index
        %parallel_loop3A_146 = arith.index_cast %select_n3A_116 : i32 to index
        %parallel_loop3A_147 = arith.index_cast %mul3A_134 : i32 to index
        %parallel_loop3A_148 = tpu.vector_load %arg4[%parallel_loop3A_145, %parallel_loop3A_146, %parallel_loop3A_147] {strides = array<i32>} : memref<16x8x256xf32, #tpu.memory_space<vmem>>, vector<1x1x16xf32>,
        %parallel_loop3A_149 = vector.shape_cast %parallel_loop3A_148 : vector<1x1x16xf32> to vector<16xf32>
        %parallel_loop3A_150 = arith.addf %parallel_loop3A_144, %parallel_loop3A_149 : vector<16xf32>
        scf.yield %parallel_loop3A_150 : vector<16xf32>
      } {sc.loop_unroll_factor = 4 : i64, sc.parallel_access}
      %swap3A = arith.index_cast %select_n3A_116 : i32 to index
      %swap3A_139 = arith.index_cast %mul3A_134 : i32 to index
      %swap3A_140 = tpu.vector_load %arg6[%swap3A, %swap3A_139] {strides = array<i32>} : memref<8x256xf32, #tpu.memory_space<vmem>>, vector<1x16xf32>,
      %swap3A_141 = vector.shape_cast %swap3A_140 : vector<1x16xf32> to vector<16xf32>
      %swap3A_142 = vector.shape_cast %parallel_loop3A_138 : vector<16xf32> to vector<1x16xf32>
      tpu.vector_store %arg6[%swap3A, %swap3A_139], %swap3A_142 {strides = array<i32>} : memref<8x256xf32, #tpu.memory_space<vmem>>, vector<1x16xf32>,
    }
    %scan3A_73 = arith.constant 128 : i32
    %dma_wait3A_74 = arith.constant 0 : i32
    %dma_wait3A_75 = arith.constant 0 : i32
    %dma_wait3A_76 = arith.constant 0 : i32
    %dma_wait3A_77 = tpu.memref_slice %arg5[%dma_wait3A_74, %dma_wait3A_75, %dma_wait3A_76] : memref<16x8x256xf32, #tpu.memory_space<vmem>> -> memref<4x8x256xf32, #tpu.memory_space<vmem>>
    %dma_wait3A_78 = arith.constant 16 : i32
    %dma_wait3A_79 = tpu.memref_slice %arg2[%dma_wait3A_78, %mul3A_32, %mul3A_34] : memref<20x64x1024xf32, #tpu.memory_space<hbm>> -> memref<4x8x256xf32, #tpu.memory_space<hbm>>
    %dma_wait3A_80 = arith.constant 0 : i32
    %dma_wait3A_81 = arith.constant 0 : i32
    %dma_wait3A_82 = arith.constant 0 : i32
    %dma_wait3A_83 = tpu.memref_slice %arg5[%dma_wait3A_80, %dma_wait3A_81, %dma_wait3A_82] : memref<16x8x256xf32, #tpu.memory_space<vmem>> -> memref<4x8x256xf32, #tpu.memory_space<vmem>>
    %dma_wait3A_84 = arith.constant 16 : i32
    %dma_wait3A_85 = tpu.memref_slice %arg2[%dma_wait3A_84, %mul3A_32, %mul3A_34] : memref<20x64x1024xf32, #tpu.memory_space<hbm>> -> memref<4x8x256xf32, #tpu.memory_space<hbm>>
    tpu.wait_dma2 semaphore(%arg8 : memref<!tpu.dma_semaphore, #tpu.memory_space<semaphore_mem>>) src(%dma_wait3A_85 : memref<4x8x256xf32, #tpu.memory_space<hbm>>) dst(%dma_wait3A_83 : memref<4x8x256xf32, #tpu.memory_space<vmem>>)
    %scan3A_86 = arith.constant 0 : i32
    %scan3A_87 = arith.constant 0 : i32
    %scan3A_88 = arith.constant 128 : i32
    %scan3A_89 = arith.addi %scan3A_87, %scan3A_88 : i32
    %scan3A_90 = arith.constant 1 : i32
    scf.for %scan3A_92 = %scan3A_87 to %scan3A_89 step %scan3A_90  : i32 {
      %jit3A_93 = arith.constant 16 : i32
      %div3A_94 = arith.divsi %scan3A_92, %jit3A_93 : i32
      %sign3A_95 = arith.constant 0 : i32
      %sign3A_96 = arith.cmpi sgt, %scan3A_92, %sign3A_95 : i32
      %sign3A_97 = arith.extui %sign3A_96 : i1 to i32
      %sign3A_98 = arith.constant 0 : i32
      %sign3A_99 = arith.cmpi slt, %scan3A_92, %sign3A_98 : i32
      %sign3A_100 = arith.extui %sign3A_99 : i1 to i32
      %sign3A_101 = arith.subi %sign3A_97, %sign3A_100 : i32
      %sign3A_102 = arith.constant 0 : i32
      %sign3A_103 = arith.cmpi sgt, %jit3A_93, %sign3A_102 : i32
      %sign3A_104 = arith.extui %sign3A_103 : i1 to i32
      %sign3A_105 = arith.constant 0 : i32
      %sign3A_106 = arith.cmpi slt, %jit3A_93, %sign3A_105 : i32
      %sign3A_107 = arith.extui %sign3A_106 : i1 to i32
      %sign3A_108 = arith.subi %sign3A_104, %sign3A_107 : i32
      %ne3A_109 = arith.cmpi ne, %sign3A_101, %sign3A_108 : i32
      %rem3A_110 = arith.remsi %scan3A_92, %jit3A_93 : i32
      %ne3A_111 = arith.constant 0 : i32
      %ne3A_112 = arith.cmpi ne, %rem3A_110, %ne3A_111 : i32
      %and3A_113 = arith.andi %ne3A_109, %ne3A_112 : i1
      %sub3A_114 = arith.constant 1 : i32
      %sub3A_115 = arith.subi %div3A_94, %sub3A_114 : i32
      %select_n3A_116 = arith.select %and3A_113, %sub3A_115, %div3A_94 : i32
      %jit3A_117 = arith.constant 16 : i32
      %eq3A_118 = arith.constant 0 : i32
      %eq3A_119 = arith.cmpi eq, %jit3A_117, %eq3A_118 : i32
      %jit3A_120 = arith.constant 1 : i32
      %select_n3A_121 = arith.select %eq3A_119, %jit3A_120, %jit3A_117 : i32
      %rem3A_122 = arith.remsi %scan3A_92, %select_n3A_121 : i32
      %ne3A_123 = arith.constant 0 : i32
      %ne3A_124 = arith.cmpi ne, %rem3A_122, %ne3A_123 : i32
      %lt3A_125 = arith.constant 0 : i32
      %lt3A_126 = arith.cmpi slt, %rem3A_122, %lt3A_125 : i32
      %lt3A_127 = arith.constant 0 : i32
      %lt3A_128 = arith.cmpi slt, %select_n3A_121, %lt3A_127 : i32
      %ne3A_129 = arith.xori %lt3A_126, %lt3A_128 : i1
      %and3A_130 = arith.andi %ne3A_129, %ne3A_124 : i1
      %add3A_131 = arith.addi %rem3A_122, %select_n3A_121 : i32
      %select_n3A_132 = arith.select %and3A_130, %add3A_131, %rem3A_122 : i32
      %mul3A_133 = arith.constant 16 : i32
      %mul3A_134 = arith.muli %select_n3A_132, %mul3A_133 : i32
      %broadcast_in_dim3A = arith.constant 0.000000e+00 : f32
      %broadcast_in_dim3A_135 = vector.broadcast %broadcast_in_dim3A : f32 to vector<16xf32>
      %parallel_loop3A = arith.constant 0 : i32
      %parallel_loop3A_136 = arith.constant 4 : i32
      %parallel_loop3A_137 = arith.constant 1 : i32
      %parallel_loop3A_138 = scf.for %parallel_loop3A_147 = %parallel_loop3A to %parallel_loop3A_136 step %parallel_loop3A_137 iter_args(%parallel_loop3A_148 = %broadcast_in_dim3A_135) -> (vector<16xf32>)  : i32 {
        %parallel_loop3A_149 = arith.index_cast %parallel_loop3A_147 : i32 to index
        %parallel_loop3A_150 = arith.index_cast %select_n3A_116 : i32 to index
        %parallel_loop3A_151 = arith.index_cast %mul3A_134 : i32 to index
        %parallel_loop3A_152 = tpu.vector_load %arg5[%parallel_loop3A_149, %parallel_loop3A_150, %parallel_loop3A_151] {strides = array<i32>} : memref<16x8x256xf32, #tpu.memory_space<vmem>>, vector<1x1x16xf32>,
        %parallel_loop3A_153 = vector.shape_cast %parallel_loop3A_152 : vector<1x1x16xf32> to vector<16xf32>
        %parallel_loop3A_154 = arith.addf %parallel_loop3A_148, %parallel_loop3A_153 : vector<16xf32>
        scf.yield %parallel_loop3A_154 : vector<16xf32>
      } {sc.loop_unroll_factor = 4 : i64, sc.parallel_access}
      %get3A = arith.index_cast %select_n3A_116 : i32 to index
      %get3A_139 = arith.index_cast %mul3A_134 : i32 to index
      %get3A_140 = tpu.vector_load %arg6[%get3A, %get3A_139] {strides = array<i32>} : memref<8x256xf32, #tpu.memory_space<vmem>>, vector<1x16xf32>,
      %get3A_141 = vector.shape_cast %get3A_140 : vector<1x16xf32> to vector<16xf32>
      %add3A_142 = arith.addf %get3A_141, %parallel_loop3A_138 : vector<16xf32>
      %swap3A = arith.index_cast %select_n3A_116 : i32 to index
      %swap3A_143 = arith.index_cast %mul3A_134 : i32 to index
      %swap3A_144 = tpu.vector_load %arg6[%swap3A, %swap3A_143] {strides = array<i32>} : memref<8x256xf32, #tpu.memory_space<vmem>>, vector<1x16xf32>,
      %swap3A_145 = vector.shape_cast %swap3A_144 : vector<1x16xf32> to vector<16xf32>
      %swap3A_146 = vector.shape_cast %add3A_142 : vector<16xf32> to vector<1x16xf32>
      tpu.vector_store %arg6[%swap3A, %swap3A_143], %swap3A_146 {strides = array<i32>} : memref<8x256xf32, #tpu.memory_space<vmem>>, vector<1x16xf32>,
    }
    %scan3A_91 = arith.constant 128 : i32
    %run_scoped3A = arith.constant 0 : i32
    "tpu.region"() ({
      %run_scoped3A_92 = tpu.sem_alloc : memref<!tpu.dma_semaphore, #tpu.memory_space<semaphore_mem>>
      %dma_start3A_93 = arith.constant 0 : i32
      %dma_start3A_94 = arith.constant 0 : i32
      %dma_start3A_95 = tpu.memref_slice %arg3[%run_scoped3A, %select_n3A, %select_n3A_30, %dma_start3A_93, %dma_start3A_94] : memref<1x8x4x8x256xf32, #tpu.memory_space<hbm>> -> memref<1x1x1x8x256xf32, #tpu.memory_space<hbm>>
      %dma_start3A_96 = tpu.memref_squeeze %dma_start3A_95 : memref<1x1x1x8x256xf32, #tpu.memory_space<hbm>> -> memref<8x256xf32, #tpu.memory_space<hbm>>
      %dma_start3A_97 = arith.constant 0 : i32
      %dma_start3A_98 = arith.constant 0 : i32
      %dma_start3A_99 = tpu.memref_slice %arg3[%run_scoped3A, %select_n3A, %select_n3A_30, %dma_start3A_97, %dma_start3A_98] : memref<1x8x4x8x256xf32, #tpu.memory_space<hbm>> -> memref<1x1x1x8x256xf32, #tpu.memory_space<hbm>>
      %dma_start3A_100 = tpu.memref_squeeze %dma_start3A_99 : memref<1x1x1x8x256xf32, #tpu.memory_space<hbm>> -> memref<8x256xf32, #tpu.memory_space<hbm>>
      tpu.enqueue_dma source(%arg6 : memref<8x256xf32, #tpu.memory_space<vmem>>) target(%dma_start3A_100 : memref<8x256xf32, #tpu.memory_space<hbm>>) target_semaphore(%run_scoped3A_92 : memref<!tpu.dma_semaphore, #tpu.memory_space<semaphore_mem>>)
      %dma_wait3A_101 = arith.constant 0 : i32
      %dma_wait3A_102 = arith.constant 0 : i32
      %dma_wait3A_103 = tpu.memref_slice %arg3[%run_scoped3A, %select_n3A, %select_n3A_30, %dma_wait3A_101, %dma_wait3A_102] : memref<1x8x4x8x256xf32, #tpu.memory_space<hbm>> -> memref<1x1x1x8x256xf32, #tpu.memory_space<hbm>>
      %dma_wait3A_104 = tpu.memref_squeeze %dma_wait3A_103 : memref<1x1x1x8x256xf32, #tpu.memory_space<hbm>> -> memref<8x256xf32, #tpu.memory_space<hbm>>
      %dma_wait3A_105 = arith.constant 0 : i32
      %dma_wait3A_106 = arith.constant 0 : i32
      %dma_wait3A_107 = tpu.memref_slice %arg3[%run_scoped3A, %select_n3A, %select_n3A_30, %dma_wait3A_105, %dma_wait3A_106] : memref<1x8x4x8x256xf32, #tpu.memory_space<hbm>> -> memref<1x1x1x8x256xf32, #tpu.memory_space<hbm>>
      %dma_wait3A_108 = tpu.memref_squeeze %dma_wait3A_107 : memref<1x1x1x8x256xf32, #tpu.memory_space<hbm>> -> memref<8x256xf32, #tpu.memory_space<hbm>>
      tpu.wait_dma2 semaphore(%run_scoped3A_92 : memref<!tpu.dma_semaphore, #tpu.memory_space<semaphore_mem>>) src(%arg6 : memref<8x256xf32, #tpu.memory_space<vmem>>) dst(%dma_wait3A_108 : memref<8x256xf32, #tpu.memory_space<hbm>>)
      tpu.yield
    }) : () -> ()
    return
  }
}

module attributes {stable_mosaic.version = 14 : i64} {
  func.func @_tc_body(%arg0: i32, %arg1: memref<5x64x1024xf32, #tpu.memory_space<vmem>>, %arg2: memref<10x64x1024xf32, #tpu.memory_space<vmem>>, %arg3: memref<20x64x1024xf32, #tpu.memory_space<vmem>>, %arg4: memref<3x64x1024xf32, #tpu.memory_space<vmem>>) attributes {dimension_semantics = [#tpu.dimension_semantics<arbitrary>], iteration_bounds = array<i64: 10>, scalar_prefetch = 0 : i64, scratch_operands = 0 : i64, tpu.core_type = #tpu.core_type<tc>, window_params = [{transform_indices = @transform_0, window_bounds = array<i64: 5, 64, 1024>}, {transform_indices = @transform_1, window_bounds = array<i64: 10, 64, 1024>}, {transform_indices = @transform_2, window_bounds = array<i64: 20, 64, 1024>}, {pipeline_mode = #tpu.pipeline_mode<synchronous>, transform_indices = @transform_3, window_bounds = array<i64: 3, 64, 1024>}]} {
    %eq3A = arith.constant 0 : i32
    %eq3A_0 = arith.cmpi eq, %arg0, %eq3A : i32
    %convert_element_type3A = arith.extui %eq3A_0 : i1 to i32
    %cond3A = arith.constant 0 : i32
    %cond3A_1 = arith.cmpi ne, %convert_element_type3A, %cond3A : i32
    scf.if %cond3A_1 {
      %broadcast_in_dim3A = arith.constant 0.000000e+00 : f32
      %broadcast_in_dim3A_52 = vector.broadcast %broadcast_in_dim3A : f32 to vector<3x64x1024xf32>
      %swap3A_53 = arith.constant 0 : index
      %swap3A_54 = arith.constant 0 : index
      %swap3A_55 = arith.constant 0 : index
      %swap3A_56 = vector.load %arg4[%swap3A_53, %swap3A_54, %swap3A_55] : memref<3x64x1024xf32, #tpu.memory_space<vmem>>, vector<3x64x1024xf32>
      tpu.vector_store %arg4[%swap3A_53, %swap3A_54, %swap3A_55], %broadcast_in_dim3A_52 {strides = array<i32>} : memref<3x64x1024xf32, #tpu.memory_space<vmem>>, vector<3x64x1024xf32>,
    } else {
    }
    %get3A = arith.constant 0 : index
    %get3A_2 = arith.constant 0 : index
    %get3A_3 = arith.constant 0 : index
    %get3A_4 = vector.load %arg4[%get3A, %get3A_2, %get3A_3] : memref<3x64x1024xf32, #tpu.memory_space<vmem>>, vector<1x64x1024xf32>
    %get3A_5 = vector.shape_cast %get3A_4 : vector<1x64x1024xf32> to vector<64x1024xf32>
    %get3A_6 = arith.constant 0 : index
    %get3A_7 = arith.constant 0 : index
    %get3A_8 = arith.constant 0 : index
    %get3A_9 = vector.load %arg1[%get3A_6, %get3A_7, %get3A_8] : memref<5x64x1024xf32, #tpu.memory_space<vmem>>, vector<5x64x1024xf32>
    %reduce_sum3A = arith.constant dense<0.000000e+00> : vector<64x1024xf32>
    %reduce_sum3A_10 = vector.multi_reduction <add>, %get3A_9, %reduce_sum3A [0] : vector<5x64x1024xf32> to vector<64x1024xf32>
    %add3A = arith.addf %get3A_5, %reduce_sum3A_10 : vector<64x1024xf32>
    %swap3A = arith.constant 0 : index
    %swap3A_11 = arith.constant 0 : index
    %swap3A_12 = arith.constant 0 : index
    %swap3A_13 = vector.load %arg4[%swap3A, %swap3A_11, %swap3A_12] : memref<3x64x1024xf32, #tpu.memory_space<vmem>>, vector<1x64x1024xf32>
    %swap3A_14 = vector.shape_cast %swap3A_13 : vector<1x64x1024xf32> to vector<64x1024xf32>
    %swap3A_15 = vector.shape_cast %add3A : vector<64x1024xf32> to vector<1x64x1024xf32>
    tpu.vector_store %arg4[%swap3A, %swap3A_11, %swap3A_12], %swap3A_15 {strides = array<i32>} : memref<3x64x1024xf32, #tpu.memory_space<vmem>>, vector<1x64x1024xf32>,
    %get3A_16 = arith.constant 1 : index
    %get3A_17 = arith.constant 0 : index
    %get3A_18 = arith.constant 0 : index
    %get3A_19 = vector.load %arg4[%get3A_16, %get3A_17, %get3A_18] : memref<3x64x1024xf32, #tpu.memory_space<vmem>>, vector<1x64x1024xf32>
    %get3A_20 = vector.shape_cast %get3A_19 : vector<1x64x1024xf32> to vector<64x1024xf32>
    %get3A_21 = arith.constant 0 : index
    %get3A_22 = arith.constant 0 : index
    %get3A_23 = arith.constant 0 : index
    %get3A_24 = vector.load %arg2[%get3A_21, %get3A_22, %get3A_23] : memref<10x64x1024xf32, #tpu.memory_space<vmem>>, vector<10x64x1024xf32>
    %reduce_sum3A_25 = arith.constant dense<0.000000e+00> : vector<64x1024xf32>
    %reduce_sum3A_26 = vector.multi_reduction <add>, %get3A_24, %reduce_sum3A_25 [0] : vector<10x64x1024xf32> to vector<64x1024xf32>
    %add3A_27 = arith.addf %get3A_20, %reduce_sum3A_26 : vector<64x1024xf32>
    %swap3A_28 = arith.constant 1 : index
    %swap3A_29 = arith.constant 0 : index
    %swap3A_30 = arith.constant 0 : index
    %swap3A_31 = vector.load %arg4[%swap3A_28, %swap3A_29, %swap3A_30] : memref<3x64x1024xf32, #tpu.memory_space<vmem>>, vector<1x64x1024xf32>
    %swap3A_32 = vector.shape_cast %swap3A_31 : vector<1x64x1024xf32> to vector<64x1024xf32>
    %swap3A_33 = vector.shape_cast %add3A_27 : vector<64x1024xf32> to vector<1x64x1024xf32>
    tpu.vector_store %arg4[%swap3A_28, %swap3A_29, %swap3A_30], %swap3A_33 {strides = array<i32>} : memref<3x64x1024xf32, #tpu.memory_space<vmem>>, vector<1x64x1024xf32>,
    %get3A_34 = arith.constant 2 : index
    %get3A_35 = arith.constant 0 : index
    %get3A_36 = arith.constant 0 : index
    %get3A_37 = vector.load %arg4[%get3A_34, %get3A_35, %get3A_36] : memref<3x64x1024xf32, #tpu.memory_space<vmem>>, vector<1x64x1024xf32>
    %get3A_38 = vector.shape_cast %get3A_37 : vector<1x64x1024xf32> to vector<64x1024xf32>
    %get3A_39 = arith.constant 0 : index
    %get3A_40 = arith.constant 0 : index
    %get3A_41 = arith.constant 0 : index
    %get3A_42 = vector.load %arg3[%get3A_39, %get3A_40, %get3A_41] : memref<20x64x1024xf32, #tpu.memory_space<vmem>>, vector<20x64x1024xf32>
    %reduce_sum3A_43 = arith.constant dense<0.000000e+00> : vector<64x1024xf32>
    %reduce_sum3A_44 = vector.multi_reduction <add>, %get3A_42, %reduce_sum3A_43 [0] : vector<20x64x1024xf32> to vector<64x1024xf32>
    %add3A_45 = arith.addf %get3A_38, %reduce_sum3A_44 : vector<64x1024xf32>
    %swap3A_46 = arith.constant 2 : index
    %swap3A_47 = arith.constant 0 : index
    %swap3A_48 = arith.constant 0 : index
    %swap3A_49 = vector.load %arg4[%swap3A_46, %swap3A_47, %swap3A_48] : memref<3x64x1024xf32, #tpu.memory_space<vmem>>, vector<1x64x1024xf32>
    %swap3A_50 = vector.shape_cast %swap3A_49 : vector<1x64x1024xf32> to vector<64x1024xf32>
    %swap3A_51 = vector.shape_cast %add3A_45 : vector<64x1024xf32> to vector<1x64x1024xf32>
    tpu.vector_store %arg4[%swap3A_46, %swap3A_47, %swap3A_48], %swap3A_51 {strides = array<i32>} : memref<3x64x1024xf32, #tpu.memory_space<vmem>>, vector<1x64x1024xf32>,
    return
  }
  func.func @transform_0(%arg0: i32) -> (i32, i32, i32) {
    %c0_i32 = arith.constant 0 : i32
    %c0_i32_0 = arith.constant 0 : i32
    %c0_i32_1 = arith.constant 0 : i32
    return %arg0, %c0_i32, %c0_i32_0 : i32, i32, i32
  }
  func.func @transform_1(%arg0: i32) -> (i32, i32, i32) {
    %c0_i32 = arith.constant 0 : i32
    %c0_i32_0 = arith.constant 0 : i32
    %c0_i32_1 = arith.constant 0 : i32
    return %arg0, %c0_i32, %c0_i32_0 : i32, i32, i32
  }
  func.func @transform_2(%arg0: i32) -> (i32, i32, i32) {
    %c0_i32 = arith.constant 0 : i32
    %c0_i32_0 = arith.constant 0 : i32
    %c0_i32_1 = arith.constant 0 : i32
    return %arg0, %c0_i32, %c0_i32_0 : i32, i32, i32
  }
  func.func @transform_3(%arg0: i32) -> (i32, i32, i32) {
    %c0_i32 = arith.constant 0 : i32
    %c0_i32_0 = arith.constant 0 : i32
    %c0_i32_1 = arith.constant 0 : i32
    %c0_i32_2 = arith.constant 0 : i32
    return %c0_i32, %c0_i32_0, %c0_i32_1 : i32, i32, i32
  }
}

</mosaic_0001>

<sc_bundles>
// kernel: kernel.4.cloned.1.call-start
scs
__scs_entry_jumppad:
0x0: {  	(pc) =	sbr.rel $0x88, $3  }
0x1: {  	(tag) =	ssettag $0x0;
	lr =	simm.s32 $0x1  }
0x2: {  	[smem:$0x3F9D] =	sst lr;
	_ =	strace $0xD0000000  }
0x3: {  	_ = 	snop  }
0x4: {  	_ = 	snop  }
0x5: {  	_ = 	snop  }
0x6: {  	_ = 	snop  }
0x7: {  	_ = 	snop  }
__scs_overlays_trampoline_lowered:
0x8: {  	[smem:$0x3FAC] =	sst s0  }
0x9: {  	[smem:$0x3FAD] =	sst s1  }
0xa: {  	[smem:$0x3FAE] =	sst s2  }
0xb: {  	[smem:$0x3FAF] =	sst s3  }
0xc: {  	[smem:$0x3FB0] =	sst s4  }
0xd: {  	[smem:$0x3FB1] =	sst s5  }
0xe: {  	[smem:$0x3FB2] =	sst s6  }
0xf: {  	[smem:$0x3FB3] =	sst s7  }
0x10: {  	[smem:$0x3FB4] =	sst s8  }
0x11: {  	[smem:$0x3FB5] =	sst s9;
	s0 =	simm.s32 @!p0 $0x0  }
0x12: {  	s1 =	sld [smem:$0x3F9B];
	s0 =	simm.s32 @p0 $0x1  }
0x13: {  	[smem:$0x3FB6] =	sst s0;
	s0 =	simm.s32 @!p1 $0x0  }
0x14: {  	s2 =	sld [smem:$0x3F9A];
	s0 =	simm.s32 @p1 $0x1  }
0x15: {  	[smem:$0x3FB7] =	sst s0;
	s0 =	simm.s32 @!p2 $0x0  }
0x16: {  	s3 =	sld [smem:$0x3FDB];
	s0 =	simm.s32 @p2 $0x1  }
0x17: {  	s4 =	simm.s32 $0x1BF5;
	[smem:$0x3FB9] =	sst s0  }
0x18: {  	s0 =	sld [smem:$0x3F9C];
	_ =	swait.ge [sflag:s4], $0x0  }
0x19: {  	s7 =	sld [smem:$0x3F9D]  }
0x1a: {  	s8 =	sadd.s32 $0xFFFFE003, lr  }
0x1b: {  	s9 =	sadd.s32 $0xFFFFFEF7, lr;
	s5 =	simm.s32 $0xFFFFFFFF;
	p2 =	slt.u32 s8, $0xFFFFF086  }
0x1c: {  	p1 =	slt.u32 s9, $0xF7A;
	s5 =	simm.s32 @!p2 $0x0  }
0x1d: {  	s5 =	simm.s32 @p1 $0x1;
	p0 =	seq.s32 s7, s2  }
0x1e: {  	s7 =	smul.u32 @!p0 $0xF7A, s2;
	p2 =	seq.s32 @!p0 s5, $0x0  }
0x1f: {  	s9 =	smul.u32 $0xF7A, s1;
	s8 =	simm.s32 @!p0 $0x1BF5;
	p2 =	por !p2, p0  }
0x20: {  	[sflag:s8] =	ssyncset.s32 @!p0 $0xFFFFF086;
	s6 =	sadd.s32 @!p0 s3, s7;
	s7 =	simm.s32 @!p0 $0x108  }
0x21: {  	s3 =	sadd.s32 s3, s9;
	s6 =	sadd.s32 @!p0 $0x88, s6;
	s7 =	simm.s32 @p2 $0x1082  }
0x22: {  	[simem:s7], [sflag:s8] =	dma.local @!p0 [hbm:s6], $0xF7A  }
0x23: {  	s9 =	sor.u32 $0xD0000000, s2;
	s6 =	simm.s32 $0x108;
	_ =	swait.ge @!p0 [sflag:s8], $0x0  }
0x24: {  	s3 =	sadd.s32 $0x88, s3;
	s6 =	simm.s32 @!p1 $0x1082;
	[sflag:s4] =	ssyncset.s32 $0xFFFFF086  }
0x25: {  	[simem:s6], [sflag:s4] =	dma.local [hbm:s3], $0xF7A  }
0x26: {  	[smem:$0x3F9D] =	sst s1;
	(tag) =	ssettag s2;
	_ =	strace s9  }
0x27: {  	s1 =	sld [smem:$0x3FAD]  }
0x28: {  	s2 =	sld [smem:$0x3FAE]  }
0x29: {  	s4 =	sld [smem:$0x3FB0]  }
0x2a: {  	p0 =	seq.s32 s5, $0x0;
	s5 =	sld [smem:$0x3FB1]  }
0x2b: {  	s6 =	sld [smem:$0x3FB2]  }
0x2c: {  	s7 =	sld [smem:$0x3FB3]  }
0x2d: {  	s3 =	simm.s32 $0x108;
	s8 =	sld [smem:$0x3FB4]  }
0x2e: {  	s3 =	simm.s32 @!p0 $0x1082;
	s9 =	sld [smem:$0x3FB5]  }
0x2f: {  	lr =	sadd.s32 s0, s3;
	s0 =	sld [smem:$0x3FAC]  }
0x30: {  	s3 =	sld [smem:$0x3FAF]  }
0x31: {  	[smem:$0x3FB8] =	sst s10  }
0x32: {  	s10 =	sld [smem:$0x3FB6];
	_ =	sdelay $0x3  }
0x33: {  	p0 =	seq.s32 s10, $0x1;
	s10 =	sld [smem:$0x3FB8];
	_ =	sdelay $0x3  }
0x34: {  	[smem:$0x3FB8] =	sst s10  }
0x35: {  	s10 =	sld [smem:$0x3FB7];
	_ =	sdelay $0x3  }
0x36: {  	p1 =	seq.s32 s10, $0x1;
	s10 =	sld [smem:$0x3FB8];
	_ =	sdelay $0x3  }
0x37: {  	[smem:$0x3FB8] =	sst s10  }
0x38: {  	s10 =	sld [smem:$0x3FB9]  }
0x39: {  	_ = 	snop;
	(pc) =	sbr.ind lr, $3  }
0x3a: {  	_ = 	snop  }
0x3b: {  	_ = 	snop  }
0x3c: {  	p2 =	seq.s32 s10, $0x1;
	s10 =	sld [smem:$0x3FB8]  }
0x3d: {  	_ =	shalt  }
0x3e: {  	_ =	shalt  }
0x3f: {  	_ =	shalt  }
0x40: {  	_ =	shalt  }
0x41: {  	_ =	shalt  }
0x42: {  	_ =	shalt  }
0x43: {  	_ =	shalt  }
0x44: {  	_ =	shalt  }
0x45: {  	_ =	shalt  }
0x46: {  	_ =	shalt  }
0x47: {  	_ =	shalt  }
0x48: {  	_ =	shalt  }
0x49: {  	_ =	shalt  }
0x4a: {  	_ =	shalt  }
0x4b: {  	_ =	shalt  }
0x4c: {  	_ =	shalt  }
0x4d: {  	_ =	shalt  }
0x4e: {  	_ =	shalt  }
0x4f: {  	_ =	shalt  }
0x50: {  	_ =	shalt  }
0x51: {  	_ =	shalt  }
0x52: {  	_ =	shalt  }
0x53: {  	_ =	shalt  }
0x54: {  	_ =	shalt  }
0x55: {  	_ =	shalt  }
0x56: {  	_ =	shalt  }
0x57: {  	_ =	shalt  }
0x58: {  	_ =	shalt  }
0x59: {  	_ =	shalt  }
0x5a: {  	_ =	shalt  }
0x5b: {  	_ =	shalt  }
0x5c: {  	_ =	shalt  }
0x5d: {  	_ =	shalt  }
0x5e: {  	_ =	shalt  }
0x5f: {  	_ =	shalt  }
0x60: {  	_ =	shalt  }
0x61: {  	_ =	shalt  }
0x62: {  	_ =	shalt  }
0x63: {  	_ =	shalt  }
0x64: {  	_ =	shalt  }
0x65: {  	_ =	shalt  }
0x66: {  	_ =	shalt  }
0x67: {  	_ =	shalt  }
0x68: {  	_ =	shalt  }
0x69: {  	_ =	shalt  }
0x6a: {  	_ =	shalt  }
0x6b: {  	_ =	shalt  }
0x6c: {  	_ =	shalt  }
0x6d: {  	_ =	shalt  }
0x6e: {  	_ =	shalt  }
0x6f: {  	_ =	shalt  }
0x70: {  	_ =	shalt  }
0x71: {  	_ =	shalt  }
0x72: {  	_ =	shalt  }
0x73: {  	_ =	shalt  }
0x74: {  	_ =	shalt  }
0x75: {  	_ =	shalt  }
0x76: {  	_ =	shalt  }
0x77: {  	_ =	shalt  }
0x78: {  	_ =	shalt  }
0x79: {  	_ =	shalt  }
0x7a: {  	_ =	shalt  }
0x7b: {  	_ =	shalt  }
0x7c: {  	_ =	shalt  }
0x7d: {  	_ =	shalt  }
0x7e: {  	_ =	shalt  }
0x7f: {  	_ =	shalt  }
0x80: {  	_ =	shalt  }
0x81: {  	_ =	shalt  }
0x82: {  	_ =	shalt  }
0x83: {  	_ =	shalt  }
0x84: {  	_ =	shalt  }
0x85: {  	_ =	shalt  }
0x86: {  	_ =	shalt  }
0x87: {  	_ =	shalt  }
.Lfunc_end0:
.L_simem_size_0:
called_computation_lowered:
.L_overlay_start_0:
0x88: {  	s2 =	sld [smem:$0x3FD9]  }
0x89: {  	s3 =	sld [smem:$0x3FFE];
	_ =	sdelay $0x1  }
0x8a: {  	s1 =	srdreg.scid  }
0x8b: {  	s0 =	sand.u32 $0x1, s1  }
0x8c: {  	s17 =	sshll.u32 s0, $0xA;
	s2 =	sadd.s32 s3, s2  }
0x8d: {  	s2 =	sadd.s32 s2, s17  }
0x8e: {  	[smem:$0x3FC4] =	sst s2  }
0x8f: {  	_ = 	snop  }
0x90: {  	s2 =	sld [smem:$0x3FC9];
	(tm) =	ssettm $0x1  }
0x91: {  	s18 =	sld [smem:$0x3FFB];
	_ =	sdelay $0x3  }
0x92: {  	_ =	strace s18  }
0x93: {  	s3 =	sld [smem:$0x3FFC];
	_ =	sdelay $0x3  }
0x94: {  	_ =	strace s3  }
0x95: {  	s3 =	sld [smem:$0x3FFD];
	_ =	sdelay $0x3  }
0x96: {  	_ =	strace s3  }
0x97: {  	_ =	strace $0x8FFFFFFF  }
0x98: {  	s19 =	sld [smem:$0x3FDB];
	_ =	sdelay $0x1  }
0x99: {  	s4 =	simm.s32 $_scs_section_size  }
0x9a: {  	s5 =	simm.s32 $_size__tile_overlayer_lowered;
	s6 =	simm.s32 $_tile_overlayer_lowered  }
0x9b: {  	s22 =	simm.s32 $0x1BFF;
	s21 =	sshll.u32 s6, $0x1;
	s3 =	sadd.s32 s4, s19  }
0x9c: {  	s7 =	simm.s32 $0x0;
	s20 =	sshll.u32 s5, $0x1;
	s5 =	sadd.s32 s21, s3  }
0x9d: {  	[timem:s7], [sflag:s22] =	dma.local [hbm:s5], s20  }
0x9e: {  	_ =	swait.ge [sflag:s22], s20  }
0x9f: {  	s4 =	ssub.s32 $0x0, s20;
	[sflag:s22] =	ssyncset.done $0x0  }
0xa0: {  	[sflag:s22] =	ssyncadd.s32 s4;
	_ =	sdelay $0x1  }
0xa1: {  	s23 =	simm.s32 $0x1B8B  }
0xa2: {  	_ =	swait.ge [sflag:s23], $0x1  }
0xa3: {  	[sflag:s23] =	ssyncset.done $0x0  }
0xa4: {  	s25 =	simm.s32 $0x1B8E;
	s24 =	sld [smem:$0x3FFE];
	[sflag:s23] =	ssyncadd.s32 $0xFFFFFFFF  }
0xa5: {  	s26 =	simm.s32 $execute0_lowered;
	[smem:$0x3FD2] =	sst s25  }
0xa6: {  	s5 =	sshll.u32 s26, $0x1;
	_ =	strace $0x80000046;
	[dreg:$0x1] =	wrdreg $0xFFFFFFFF  }
0xa7: {  	s28 =	simm.s32 $_size_execute0_lowered;
	s3 =	sadd.s32 s3, s5;
	[dreg:$0x0] =	wrdreg $0x0  }
0xa8: {  	s5 =	sshll.u32 s28, $0x1;
	[dreg:$0x2] =	wrdreg s3  }
0xa9: {  	[dreg:$0x3] =	wrdreg s5  }
0xaa: {  	[dreg:$0x4] =	wrdreg $0xC0  }
0xab: {  	_ =	task [dreg:s7], $0x5FFFF  }
0xac: {  	[dreg:$0x1] =	wrdreg $0xFFFFFFFF  }
0xad: {  	[dreg:$0x0] =	wrdreg $0x60  }
0xae: {  	[dreg:$0x2] =	wrdreg s2  }
0xaf: {  	[dreg:$0x3] =	wrdreg s24  }
0xb0: {  	[dreg:$0x4] =	wrdreg $0x9  }
0xb1: {  	_ =	task.clear_ibuf [dreg:s7], $0x5FFFF;
	_ =	strace $0x90000046  }
0xb2: {  	s29 =	simm.s32 $0x9;
	_ =	strace $0x80000048  }
0xb3: {  	_ =	swait.ge [sflag:s29], $0x1  }
0xb4: {  	[sflag:s29] =	ssyncadd.s32 $0xFFFFFFFF  }
0xb5: {  	_ =	strace $0x90000048  }
0xb6: {  	_ =	sfence  }
0xb7: {  	s30 =	sld [smem:$0x0];
	_ =	sdelay $0x2  }
0xb8: {  	s31 =	sshll.u32 s1, $0xD;
	s1 =	sshrl.u32 s1, $0x2  }
0xb9: {  	s3 =	sand.u32 $0x4000, s31;
	s1 =	sadd.s32 s1, s30  }
0xba: {  	s0 =	sor.u32 s3, s0;
	s1 =	sshll.u32 s1, $0x11  }
0xbb: {  	s0 =	sor.u32 s1, s0  }
0xbc: {  	s0 =	sadd.s32 $0x8F2B, s0  }
0xbd: {  	[sflag:s0] =	ssyncadd.remote.s32 $0x1  }
0xbe: {  	_ =	sfence.sel $0xFFFF  }
0xbf: {  	[dreg:$0x0] =	wrdreg $0xFFFFFFFF;
	(pc) =	sbr.abs _section_cstart, $3  }
0xc0: {  	[dreg:$0x1] =	wrdreg $0xFFFFFFFF  }
0xc1: {  	_ =	task.clear_ibuf [dreg:s7], $0x2FFFF;
	_ =	strace $0x9FFFFFFF  }
0xc2: {  	(tm) =	ssettm $0x7FFFFFFF  }
0xc3: {  	_ =	shalt  }
tec
execute0_lowered:
.L_overlay_start_1:
0x0: {  	(tag) =	ssettag $0x1  }
0x1: {  	s0 =	stileid.u32;
	s3 =	rddreg [dreg:$0x0]  }
0x2: {  	s1 =	srdreg.scid;
	s4 =	rddreg [dreg:$0x1]  }
0x3: {  	s8 =	simm.s32 $0x10000;
	s9 =	simm.s32 $0x8000;
	s10 =	simm.s32 $0x1  }
0x4: {  	s11 =	simm.s32 $0x2;
	s12 =	simm.s32 $0x3;
	s2 =	sshll.u32 s0, $0x1  }
0x5: {  	s13 =	simm.s32 $0x0;
	s5 =	sand.u32 $0x1, s1;
	s2 =	sand.u32 $0x2, s2  }
0x6: {  	s1 =	rddreg [dreg:$0x2];
	s7 =	sshll.u32 s0, $0x9;
	s6 =	sor.u32 s5, s2  }
0x7: {  	s7 =	sand.u32 $0x1C00, s7;
	s2 =	simm.s32 $0x0;
	s6 =	sshll.u32 s6, $0x8  }
0x8: {  	s5 =	ssub.s32 $0x2, s5;
	[smem:$0x7FF] =	sst s2;
	s6 =	sor.u32 s7, s6  }
0x9: {  	s31 =	sshrl.u32 s5, $0x1;
	_ =	strace $0x80000047;
	s3 =	sadd.s32 s3, s6  }
0xa: {  	s7 =	ssub.s32 s5, s31;
	s6 =	sadd.s32 s6, s4;
	s4 =	sadd.s32 $0x20000, s3  }
0xb: {  	s5 =	sadd.s32 $0x600, s6;
	s6 =	smax.u32 s7, $0x1;
	s7 =	simm.s32 $0x800  }
.LBB2_1:
0xc: {  	[tilespmem:s2], [sflag:$0x1] =	stream.strided.gather [hbm4b:s3+s7], $0x8000, s8, s7, $0x38;
	[tilespmem:$0x10800] =	vst v63  }
0xd: {  	s14 =	simm.s32 $0x0  }
0xe: {  	[tilespmem:s9], [sflag:$0x2] =	stream.strided.gather [hbm4b:s4+s7], $0x2000, s8, s7, $0x38;
	[tilespmem:$0x10800] =	vst v63  }
0xf: {  	s15 =	sand.u32 $0x400, s2;
	s14 =	sand.u32 $0x1FFFFF80, s14;
	_ =	swait.ge [sflag:s10], $0x8000  }
0x10: {  	s16 =	sand.u32 $0x70, s2;
	s14 =	sadd.s32 s14, s15;
	[sflag:s10] =	ssyncset.done $0x0  }
0x11: {  	s15 =	sor.u32 s16, s14;
	[sflag:s10] =	ssyncadd.s32 $0xFFFF8000  }
0x12: {  	v0 =	vld [tilespmem:s15+$0x0];
	_ =	sdelay $0x1  }
0x13: {  	v1 =	vld [tilespmem:s15+$0x800];
	_ =	sdelay $0x1  }
0x14: {  	v2 =	vld [tilespmem:s15+$0x1000]  }
0x15: {  	v0 =	vadd.f32 $0.0e+00, v0  }
0x16: {  	v3 =	vld [tilespmem:s15+$0x1800]  }
0x17: {  	v0 =	vadd.f32 v1, v0  }
0x18: {  	v1 =	vld [tilespmem:s15+$0x2000]  }
0x19: {  	v0 =	vadd.f32 v2, v0  }
0x1a: {  	v2 =	vld [tilespmem:s15+$0x2800]  }
0x1b: {  	v0 =	vadd.f32 v3, v0  }
0x1c: {  	s30 =	simm.s32 $0x8;
	s31 =	simm.s32 $0x80;
	v3 =	vld [tilespmem:s15+$0x3000]  }
0x1d: {  	s17 =	simm.s32 $0x10;
	s16 =	sand.u32 $0x400, s31;
	s14 =	sand.u32 $0x1FFFFF80, s30;
	v0 =	vadd.f32 v1, v0  }
0x1e: {  	s17 =	sand.u32 $0x70, s17;
	s14 =	sadd.s32 s14, s16;
	v1 =	vld [tilespmem:s15+$0x3800]  }
0x1f: {  	s14 =	sor.u32 s17, s14;
	v4 =	vld [tilespmem:s15+$0x4000];
	v0 =	vadd.f32 v2, v0  }
0x20: {  	v2 =	vld [tilespmem:s14+$0x0]  }
0x21: {  	v5 =	vld [tilespmem:s15+$0x4800];
	v0 =	vadd.f32 v3, v0  }
0x22: {  	v3 =	vld [tilespmem:s14+$0x800]  }
0x23: {  	v6 =	vld [tilespmem:s15+$0x5000];
	v0 =	vadd.f32 v1, v0  }
0x24: {  	v1 =	vld [tilespmem:s14+$0x1000]  }
0x25: {  	v7 =	vld [tilespmem:s15+$0x5800];
	v2 =	vadd.f32 $0.0e+00, v2;
	v0 =	vadd.f32 v4, v0  }
0x26: {  	v8 =	vld [tilespmem:s14+$0x1800]  }
0x27: {  	v4 =	vld [tilespmem:s15+$0x6000];
	v2 =	vadd.f32 v3, v2;
	v5 =	vadd.f32 v5, v0  }
0x28: {  	v3 =	vld [tilespmem:s14+$0x2000]  }
0x29: {  	v0 =	vld [tilespmem:s15+$0x6800];
	v9 =	vadd.f32 v1, v2;
	v5 =	vadd.f32 v6, v5  }
0x2a: {  	v2 =	vld [tilespmem:s14+$0x2800]  }
0x2b: {  	s19 =	simm.s32 $0x10;
	v1 =	vld [tilespmem:s15+$0x7000];
	v6 =	vadd.f32 v8, v9;
	v7 =	vadd.f32 v7, v5  }
0x2c: {  	s18 =	simm.s32 $0x100;
	s16 =	simm.s32 $0x20;
	s17 =	simm.s32 $0x60;
	v5 =	vld [tilespmem:s14+$0x3000]  }
.LBB2_2:
0x2d: {  	p0 =	sne.s32 s17, $0xFE0;
	s20 =	sand.u32 $0x400, s18;
	s19 =	sand.u32 $0x1FFFFF80, s19;
	v3 =	vadd.f32 v3, v6;
	v4 =	vadd.f32 v4, v7;
	v6 =	vld [tilespmem:s15+$0x7800]  }
0x2e: {  	s21 =	sand.u32 $0x70, s16;
	s19 =	sadd.s32 s19, s20;
	v7 =	vld [tilespmem:s14+$0x3800]  }
0x2f: {  	s19 =	sor.u32 s21, s19;
	v2 =	vadd.f32 v2, v3;
	v3 =	vld [tilespmem:s14+$0x4000];
	v0 =	vadd.f32 v0, v4  }
0x30: {  	v4 =	vld [tilespmem:s19+$0x0]  }
0x31: {  	v2 =	vadd.f32 v5, v2;
	v5 =	vld [tilespmem:s14+$0x4800];
	v0 =	vadd.f32 v1, v0  }
0x32: {  	v1 =	vld [tilespmem:s19+$0x800]  }
0x33: {  	v2 =	vadd.f32 v7, v2;
	v7 =	vld [tilespmem:s14+$0x5000];
	v0 =	vadd.f32 v6, v0  }
0x34: {  	v6 =	vld [tilespmem:s19+$0x1000]  }
0x35: {  	v4 =	vadd.f32 $0.0e+00, v4;
	v2 =	vadd.f32 v3, v2;
	v8 =	vld [tilespmem:s14+$0x5800];
	[tilespmem:s15+$0x10000] =	vst v0;
	s15 =	smov.u32 s14;
	s14 =	smov.u32 s19  }
0x36: {  	v9 =	vld [tilespmem:s14+$0x1800]  }
0x37: {  	v0 =	vadd.f32 v1, v4;
	v1 =	vadd.f32 v5, v2;
	v4 =	vld [tilespmem:s15+$0x6000]  }
.Ltmp0:
0x38: {  	v3 =	vld [tilespmem:s14+$0x2000];
	(pc) =	sbr.rel @p0 .LBB2_2-.Ltmp0, $4  }
0x39: {  	v5 =	vadd.f32 v6, v0;
	v1 =	vadd.f32 v7, v1;
	v0 =	vld [tilespmem:s15+$0x6800]  }
0x3a: {  	v2 =	vld [tilespmem:s14+$0x2800]  }
0x3b: {  	s16 =	sadd.s32 $0x10, s16;
	v6 =	vadd.f32 v9, v5;
	v7 =	vadd.f32 v8, v1;
	v1 =	vld [tilespmem:s15+$0x7000]  }
0x3c: {  	s18 =	sadd.s32 $0x80, s18;
	s19 =	sshrl.u32 s17, $0x2;
	s17 =	sadd.s32 $0x20, s17;
	v5 =	vld [tilespmem:s14+$0x3000]  }
0x3d: {  	s17 =	sand.u32 $0x400, s18;
	s23 =	sand.u32 $0x1FFFFF80, s19;
	v8 =	vld [tilespmem:s15+$0x7800];
	v4 =	vadd.f32 v4, v7  }
0x3e: {  	s16 =	sand.u32 $0x70, s16;
	v7 =	vld [tilespmem:s14+$0x3800];
	s17 =	sadd.s32 s23, s17  }
0x3f: {  	v9 =	vld [tilespmem:s14+$0x4000];
	v3 =	vadd.f32 v3, v6;
	s16 =	sor.u32 s16, s17;
	v0 =	vadd.f32 v0, v4  }
0x40: {  	v4 =	vld [tilespmem:s16+$0x0]  }
0x41: {  	v6 =	vld [tilespmem:s14+$0x4800];
	v2 =	vadd.f32 v2, v3;
	v0 =	vadd.f32 v1, v0  }
0x42: {  	v1 =	vld [tilespmem:s16+$0x800]  }
0x43: {  	v63 =	vld [tilespmem:s14+$0x5800];
	v2 =	vadd.f32 v5, v2;
	v0 =	vadd.f32 v8, v0  }
0x44: {  	v5 =	vld [tilespmem:s16+$0x1000]  }
0x45: {  	v3 =	vld [tilespmem:s14+$0x5000];
	v2 =	vadd.f32 v7, v2;
	v4 =	vadd.f32 $0.0e+00, v4;
	[tilespmem:s15+$0x10000] =	vst v0  }
0x46: {  	v0 =	vld [tilespmem:s16+$0x1800]  }
0x47: {  	v2 =	vadd.f32 v9, v2;
	v1 =	vadd.f32 v1, v4  }
0x48: {  	v4 =	vld [tilespmem:s16+$0x2000]  }
0x49: {  	v2 =	vadd.f32 v6, v2;
	v6 =	vld [tilespmem:s14+$0x6000];
	v1 =	vadd.f32 v5, v1  }
0x4a: {  	v5 =	vld [tilespmem:s16+$0x2800]  }
0x4b: {  	v2 =	vadd.f32 v3, v2;
	v3 =	vld [tilespmem:s14+$0x6800];
	v0 =	vadd.f32 v0, v1  }
0x4c: {  	v1 =	vld [tilespmem:s16+$0x3000]  }
0x4d: {  	v7 =	vld [tilespmem:s14+$0x7000];
	v2 =	vadd.f32 v63, v2;
	v0 =	vadd.f32 v4, v0  }
0x4e: {  	v4 =	vld [tilespmem:s16+$0x3800]  }
0x4f: {  	v2 =	vadd.f32 v6, v2;
	v6 =	vld [tilespmem:s14+$0x7800];
	v0 =	vadd.f32 v5, v0  }
0x50: {  	v5 =	vld [tilespmem:s16+$0x4000]  }
0x51: {  	v2 =	vadd.f32 v3, v2;
	v0 =	vadd.f32 v1, v0  }
0x52: {  	v1 =	vld [tilespmem:s16+$0x4800]  }
0x53: {  	v2 =	vadd.f32 v7, v2;
	v0 =	vadd.f32 v4, v0  }
0x54: {  	v3 =	vld [tilespmem:s16+$0x5000]  }
0x55: {  	v2 =	vadd.f32 v6, v2;
	v0 =	vadd.f32 v5, v0  }
0x56: {  	v4 =	vld [tilespmem:s16+$0x5800]  }
0x57: {  	[tilespmem:s14+$0x10000] =	vst v2;
	v0 =	vadd.f32 v1, v0  }
0x58: {  	v1 =	vld [tilespmem:s16+$0x6000]  }
0x59: {  	v0 =	vadd.f32 v3, v0  }
0x5a: {  	v2 =	vld [tilespmem:s16+$0x6800]  }
0x5b: {  	v0 =	vadd.f32 v4, v0  }
0x5c: {  	v3 =	vld [tilespmem:s16+$0x7000]  }
0x5d: {  	v0 =	vadd.f32 v1, v0  }
0x5e: {  	v1 =	vld [tilespmem:s16+$0x7800]  }
0x5f: {  	v0 =	vadd.f32 v2, v0;
	_ =	sdelay $0x1  }
0x60: {  	v0 =	vadd.f32 v3, v0;
	_ =	sdelay $0x1  }
0x61: {  	v0 =	vadd.f32 v1, v0;
	_ =	sdelay $0x1  }
0x62: {  	s24 =	simm.s32 $0x0;
	s25 =	simm.s32 $0x0;
	[tilespmem:s16+$0x10000] =	vst v0  }
0x63: {  	s26 =	sand.u32 $0x400, s24;
	s15 =	sand.u32 $0x1FFFFF80, s25;
	_ =	swait.ge [sflag:s11], $0x2000  }
0x64: {  	s15 =	sadd.s32 s15, s26;
	s14 =	sand.u32 $0x70, s24;
	[sflag:s11] =	ssyncset.done $0x0  }
0x65: {  	s14 =	sor.u32 s14, s15;
	[sflag:s11] =	ssyncadd.s32 $0xFFFFE000  }
0x66: {  	v0 =	vld [tilespmem:s14+$0x8000];
	_ =	sdelay $0x1  }
0x67: {  	v1 =	vld [tilespmem:s14+$0x8800];
	_ =	sdelay $0x1  }
0x68: {  	s28 =	simm.s32 $0x8;
	s29 =	simm.s32 $0x80;
	v3 =	vld [tilespmem:s14+$0x9000]  }
0x69: {  	s30 =	simm.s32 $0x10;
	s15 =	sand.u32 $0x1FFFFF80, s28;
	s16 =	sand.u32 $0x400, s29;
	v0 =	vadd.f32 $0.0e+00, v0  }
0x6a: {  	s17 =	sand.u32 $0x70, s30;
	s15 =	sadd.s32 s15, s16;
	v4 =	vld [tilespmem:s14+$0x9800]  }
0x6b: {  	s15 =	sor.u32 s17, s15;
	v2 =	vld [tilespmem:s14+$0x10000];
	v1 =	vadd.f32 v1, v0  }
0x6c: {  	v0 =	vld [tilespmem:s15+$0x8000]  }
0x6d: {  	v3 =	vadd.f32 v3, v1  }
0x6e: {  	v1 =	vld [tilespmem:s15+$0x8800]  }
0x6f: {  	s31 =	simm.s32 $0x10;
	s18 =	simm.s32 $0x60;
	s17 =	simm.s32 $0x100;
	v4 =	vadd.f32 v4, v3  }
0x70: {  	s20 =	sand.u32 $0x1FFFFF80, s31;
	s16 =	simm.s32 $0x20;
	s19 =	sand.u32 $0x400, s17;
	v3 =	vld [tilespmem:s15+$0x9000]  }
.LBB2_4:
0x71: {  	p0 =	sne.s32 s18, $0xFE0;
	s21 =	sand.u32 $0x70, s16;
	s19 =	sadd.s32 s20, s19;
	v5 =	vadd.f32 $0.0e+00, v0;
	v2 =	vadd.f32 v2, v4  }
0x72: {  	s19 =	sor.u32 s21, s19;
	v4 =	vld [tilespmem:s15+$0x9800]  }
0x73: {  	v0 =	vld [tilespmem:s19+$0x8000];
	v1 =	vadd.f32 v1, v5;
	[tilespmem:s14+$0x10000] =	vst v2;
	s14 =	smov.u32 s15;
	s15 =	smov.u32 s19  }
.Ltmp1:
0x74: {  	v2 =	vld [tilespmem:s14+$0x10000];
	(pc) =	sbr.rel @p0 .LBB2_4-.Ltmp1, $4  }
0x75: {  	v3 =	vadd.f32 v3, v1  }
0x76: {  	v1 =	vld [tilespmem:s15+$0x8800]  }
0x77: {  	s20 =	sshrl.u32 s18, $0x2;
	s16 =	sadd.s32 $0x10, s16;
	s17 =	sadd.s32 $0x80, s17;
	v4 =	vadd.f32 v4, v3  }
0x78: {  	s18 =	sadd.s32 $0x20, s18;
	s20 =	sand.u32 $0x1FFFFF80, s20;
	s19 =	sand.u32 $0x400, s17;
	v3 =	vld [tilespmem:s15+$0x9000]  }
0x79: {  	s16 =	sand.u32 $0x70, s16;
	s17 =	sadd.s32 s20, s19;
	v0 =	vadd.f32 $0.0e+00, v0;
	v2 =	vadd.f32 v2, v4  }
0x7a: {  	v59 =	vld [tilespmem:s15+$0x9800];
	s16 =	sor.u32 s16, s17  }
0x7b: {  	v5 =	vld [tilespmem:s16+$0x8000];
	v0 =	vadd.f32 v1, v0;
	[tilespmem:s14+$0x10000] =	vst v2  }
0x7c: {  	v60 =	vld [tilespmem:s15+$0x10000]  }
0x7d: {  	v0 =	vadd.f32 v3, v0  }
0x7e: {  	v2 =	vld [tilespmem:s16+$0x8800]  }
0x7f: {  	v0 =	vadd.f32 v59, v0  }
0x80: {  	v61 =	vld [tilespmem:s16+$0x9000]  }
0x81: {  	v62 =	vadd.f32 $0.0e+00, v5;
	v0 =	vadd.f32 v60, v0  }
0x82: {  	v63 =	vld [tilespmem:s16+$0x9800]  }
0x83: {  	v2 =	vadd.f32 v2, v62;
	[tilespmem:s15+$0x10000] =	vst v0  }
0x84: {  	v0 =	vld [tilespmem:s16+$0x10000]  }
0x85: {  	v2 =	vadd.f32 v61, v2;
	_ =	sdelay $0x1  }
0x86: {  	v1 =	vadd.f32 v63, v2;
	_ =	sdelay $0x1  }
0x87: {  	s13 =	sadd.s32 $0x1, s13;
	v0 =	vadd.f32 v0, v1  }
0x88: {  	p0 =	sne.s32 s13, s6  }
.Ltmp2:
0x89: {  	[tilespmem:s16+$0x10000] =	vst v0;
	(pc) =	sbr.rel @p0 .LBB2_1-.Ltmp2, $4  }
0x8a: {  	[hbm4b:s5+s2] =	stream.linear.scatter [tilespmem:s8], [sflag:$0x3], $0x800, $0x38;
	[tilespmem:$0x10800] =	vst v63  }
0x8b: {  	_ =	swait.ge [sflag:s12], $0x800  }
0x8c: {  	[sflag:s12] =	ssyncset.done $0x0  }
0x8d: {  	[sflag:s12] =	ssyncadd.s32 $0xFFFFF800  }
0x8e: {  	_ =	sfence.sel $0x180000  }
0x8f: {  	[bflag:$0x0] =	sbarrier.arrive $0xFFFF  }
0x90: {  	p0 =	sne.s32 s0, $0x0;
	_ =	strace $0x90000047  }
0x91: {  	s0 =	sadd.s32 @!p0 $0x100000, s1;
	[bflag:$0x2] =	sbarrier.arrive $0xFFFF  }
0x92: {  	[sflag:s0] =	ssyncadd.tile.s32 @!p0 $0x1;
	_ =	shalt  }
.Lfunc_end2:
_tile_overlayer_lowered:
.L_overlay_start_2:
0x93: {  	(tag) =	ssettag $0x2  }
0x94: {  	s0 =	rddreg [dreg:$0x0];
	s2 =	stileid.u32  }
0x95: {  	s1 =	rddreg [dreg:$0x1];
	p0 =	sne.s32 s2, $0x0  }
0x96: {  	s3 =	rddreg [dreg:$0x2];
	[bflag:$0x3] =	sbarrier.arrive $0xFFFF;
	s2 =	simm.s32 @!p0 $0x1C03  }
0x97: {  	[timem:s3], [sflag:s2] =	dma.local @!p0 [hbm:s0], s1  }
0x98: {  	s0 =	simm.s32 @!p0 $0x3  }
0x99: {  	_ =	swait.ge @!p0 [sflag:s0], s1  }
0x9a: {  	s1 =	ssub.s32 @!p0 $0x0, s1;
	[sflag:s0] =	ssyncset.done @!p0 $0x0  }
0x9b: {  	[sflag:s0] =	ssyncadd.s32 @!p0 s1  }
0x9c: {  	[bflag:$0x3] =	sbarrier.arrive $0xFFFF  }
0x9d: {  	_ =	shalt  }

</sc_bundles>
